<compile_context>
chip_gen: v7x
topology: tpu7x:2x2x1
jax: 0.10.2.dev20260603
libtpu: 0.0.44.dev20260713+nightly
codegen_flags: <defaults>
</compile_context>

<pallas_src>
import functools

import jax
import jax.numpy as jnp
from jax import lax
from jax.experimental import pallas as pl
from jax.experimental.pallas import tpu as pltpu
from jax.experimental.pallas import tpu_sc as plsc

_NUM_EXPERTS = 16
_BLOCK_T = 2048
_H_SPLIT = 4


def _probs_kernel(*refs):
    x_refs = refs[:_H_SPLIT]
    w_ref, b_ref = refs[_H_SPLIT], refs[_H_SPLIT + 1]
    probs_ref = refs[_H_SPLIT + 2]

    w = w_ref[...]
    hc = w.shape[1] // _H_SPLIT
    logits = b_ref[...]
    for j in range(_H_SPLIT):
        logits = logits + jax.lax.dot_general(
            x_refs[j][...], w[:, j * hc:(j + 1) * hc],
            (((1,), (1,)), ((), ())), preferred_element_type=jnp.float32,
        )
    m = jnp.max(logits, axis=-1, keepdims=True)
    e = jnp.exp(logits - m)
    probs_ref[...] = e / jnp.sum(e, axis=-1, keepdims=True)


def _tc_probs(x, W, b2):
    n_tokens, hidden_dim = x.shape
    hc = hidden_dim // _H_SPLIT
    grid = (n_tokens // _BLOCK_T,)
    x_specs = [
        pl.BlockSpec((_BLOCK_T, hc), lambda i, j=j: (i, j)) for j in range(_H_SPLIT)
    ]
    return pl.pallas_call(
        _probs_kernel,
        grid=grid,
        in_specs=x_specs + [
            pl.BlockSpec((_NUM_EXPERTS, hidden_dim), lambda i: (0, 0)),
            pl.BlockSpec((1, _NUM_EXPERTS), lambda i: (0, 0)),
        ],
        out_specs=pl.BlockSpec((_BLOCK_T, _NUM_EXPERTS), lambda i: (i, 0)),
        out_shape=jax.ShapeDtypeStruct((n_tokens, _NUM_EXPERTS), jnp.float32),
    )(*([x] * _H_SPLIT), W, b2)


def _make_sc_routing(n_tokens):
    info = plsc.get_sparse_core_info()
    nc, ns = info.num_cores, info.num_subcores
    nw = nc * ns
    t_per_w = n_tokens // nw
    mesh = plsc.VectorSubcoreMesh(core_axis_name="c", subcore_axis_name="s")

    e_per_w = t_per_w * _NUM_EXPERTS

    @functools.partial(
        pl.kernel, mesh=mesh,
        out_type=[
            jax.ShapeDtypeStruct((n_tokens * _NUM_EXPERTS,), jnp.float32),
            jax.ShapeDtypeStruct((n_tokens * _NUM_EXPERTS,), jnp.int32),
            jax.ShapeDtypeStruct((n_tokens * _NUM_EXPERTS,), jnp.float32),
        ],
        scratch_types=[
            pltpu.VMEM((e_per_w,), jnp.float32),
            pltpu.VMEM((e_per_w,), jnp.float32),
            pltpu.VMEM((e_per_w,), jnp.int32),
            pltpu.VMEM((e_per_w,), jnp.float32),
        ],
    )
    def sc_routing(probs_hbm, rw_hbm, idx_hbm, t2p_hbm, probs_v, rw_v, idx_v, t2p_v):
        wid = lax.axis_index("s") * nc + lax.axis_index("c")
        base = wid * e_per_w
        pltpu.sync_copy(probs_hbm.at[pl.ds(base, e_per_w)], probs_v)

        iota = lax.broadcasted_iota(jnp.int32, (16,), 0)
        perms = [iota ^ sh for sh in (1, 2, 4, 8)]

        gdn = lax.GatherDimensionNumbers(
            offset_dims=(), collapsed_slice_dims=(0,), start_index_map=(0,))

        def _perm(u, p):
            return lax.gather(u, p[:, None], gdn, slice_sizes=(1,),
                              mode=lax.GatherScatterMode.PROMISE_IN_BOUNDS)

        def _allmax(u):
            for p in perms:
                u = jnp.maximum(u, _perm(u, p))
            return u

        def _allmin(u):
            for p in perms:
                u = jnp.minimum(u, _perm(u, p))
            return u

        def body(t, carry):
            v = probs_v[pl.ds(t * _NUM_EXPERTS, _NUM_EXPERTS)]
            p1 = _allmax(v)
            i1 = _allmin(jnp.where(v == p1, iota, _NUM_EXPERTS))
            masked = jnp.where(iota == i1, -jnp.inf, v)
            p2 = _allmax(masked)
            i2 = _allmin(jnp.where(masked == p2, iota, _NUM_EXPERTS))
            s = p1 + p2
            p1n = p1 / s
            p2n = p2 / s
            sl = pl.ds(t * _NUM_EXPERTS, _NUM_EXPERTS)
            rw_v[sl] = jnp.where(iota == i1, p1n,
                                 jnp.where(iota == i2, p2n, 0.0))
            idx_v[sl] = jnp.where(iota == 0, i1, jnp.where(iota == 1, i2, 0))
            t2p_v[sl] = jnp.where(iota == 0, p1n, jnp.where(iota == 1, p2n, 0.0))
            return carry

        lax.fori_loop(0, t_per_w, body, 0)
        pltpu.sync_copy(rw_v, rw_hbm.at[pl.ds(base, e_per_w)])
        pltpu.sync_copy(idx_v, idx_hbm.at[pl.ds(base, e_per_w)])
        pltpu.sync_copy(t2p_v, t2p_hbm.at[pl.ds(base, e_per_w)])

    return sc_routing


@jax.jit
def kernel(hidden_states, W, b):
    batch_size, seq_len, hidden_dim = hidden_states.shape
    n_tokens = batch_size * seq_len
    x = hidden_states.reshape(n_tokens, hidden_dim)
    b2 = b.reshape(1, _NUM_EXPERTS)

    router_probs = _tc_probs(x, W, b2)
    rw, idx16, t2p16 = _make_sc_routing(n_tokens)(
        router_probs.reshape(n_tokens * _NUM_EXPERTS))
    rw = rw.reshape(n_tokens, _NUM_EXPERTS)
    idx16 = idx16.reshape(n_tokens, _NUM_EXPERTS)
    t2p16 = t2p16.reshape(n_tokens, _NUM_EXPERTS)
    return (rw, idx16[:, :2], router_probs, t2p16[:, :2])

# --- scband reference (transcript-rebuilt; emitter-appended) ---
"""Pipeline reference for scband-gserouting-24713241821314 (READ-ONLY COPY).

The authoritative reference and input builder live on the scoring server;
editing this copy changes nothing except your own understanding.
"""

import jax, jax.numpy as jnp
import numpy as np

HIDDEN_DIM = 1024
NUM_EXPERTS = 16
CAPACITY_FACTOR = 2.0


def setup_inputs(seed: int = 0) -> dict:
    key = jax.random.key(seed)
    k1, k2, k3 = jax.random.split(key, 3)
    hidden_states = jax.random.normal(k1, (4, 4096, HIDDEN_DIM), dtype=jnp.float32)
    # nn.Linear(hidden_dim, num_experts): weight [E, H], bias [E]
    bound = 1.0 / np.sqrt(HIDDEN_DIM)
    W = jax.random.uniform(k2, (NUM_EXPERTS, HIDDEN_DIM), dtype=jnp.float32, minval=-bound, maxval=bound)
    b = jax.random.uniform(k3, (NUM_EXPERTS,), dtype=jnp.float32, minval=-bound, maxval=bound)
    return {"hidden_states": hidden_states, "W": W, "b": b}


def reference(hidden_states, W, b):
    batch_size, seq_len, hidden_dim = hidden_states.shape
    hidden_flat = hidden_states.reshape(-1, hidden_dim)
    router_logits = hidden_flat @ W.T + b
    router_probs = jax.nn.softmax(router_logits, axis=-1)
    top2_probs, top2_indices = jax.lax.top_k(router_probs, 2)
    # normalize_gate=True
    top2_probs = top2_probs / jnp.sum(top2_probs, axis=-1, keepdims=True)
    n_tokens = hidden_flat.shape[0]
    expert_capacity = int(CAPACITY_FACTOR * n_tokens / NUM_EXPERTS)  # python int, aux only
    rows = jnp.arange(n_tokens)
    # torch scatter_ along dim=1 with per-row expert index (overwrite semantics)
    routing_weights = jnp.zeros_like(router_probs).at[rows[:, None], top2_indices].set(top2_probs)
    return (routing_weights, top2_indices, router_probs, top2_probs)

if __name__ == "__main__":
    import jax
    _d = setup_inputs()
    print(jax.jit(kernel)(*tuple(_d.values())))

</pallas_src>

<mosaic_0001>
#map = affine_map<(d0, d1) -> (0)>
module attributes {stable_mosaic.version = 14 : i64} {
  func.func @sc_routing(%arg0: i32, %arg1: i32, %arg2: memref<262144xf32, #tpu.memory_space<hbm>>, %arg3: memref<262144xf32, #tpu.memory_space<hbm>>, %arg4: memref<262144xi32, #tpu.memory_space<hbm>>, %arg5: memref<262144xf32, #tpu.memory_space<hbm>>, %arg6: memref<8192xf32, #tpu.memory_space<vmem>>, %arg7: memref<8192xf32, #tpu.memory_space<vmem>>, %arg8: memref<8192xi32, #tpu.memory_space<vmem>>, %arg9: memref<8192xf32, #tpu.memory_space<vmem>>) attributes {dimension_semantics = [#tpu.dimension_semantics<core_parallel>, #tpu.dimension_semantics<subcore_parallel>], iteration_bounds = array<i64: 2, 16>, scalar_prefetch = 0 : i64, scratch_operands = 4 : i64, tpu.core_type = #tpu.core_type<sc_vector_subcore>, window_params = [{transform_indices = #map}, {transform_indices = #map}, {transform_indices = #map}, {transform_indices = #map}]} {
    %mul3A = arith.constant 2 : i32
    %mul3A_0 = arith.muli %arg1, %mul3A : i32
    %add3A = arith.addi %mul3A_0, %arg0 : i32
    %mul3A_1 = arith.constant 8192 : i32
    %mul3A_2 = arith.muli %add3A, %mul3A_1 : i32
    "tpu.region"() ({
      %run_scoped3A = tpu.sem_alloc : memref<!tpu.dma_semaphore, #tpu.memory_space<semaphore_mem>>
      %dma_start3A = tpu.memref_slice %arg2[%mul3A_2] : memref<262144xf32, #tpu.memory_space<hbm>> -> memref<8192xf32, #tpu.memory_space<hbm>>
      %dma_start3A_19 = tpu.memref_slice %arg2[%mul3A_2] : memref<262144xf32, #tpu.memory_space<hbm>> -> memref<8192xf32, #tpu.memory_space<hbm>>
      tpu.enqueue_dma source(%dma_start3A_19 : memref<8192xf32, #tpu.memory_space<hbm>>) target(%arg6 : memref<8192xf32, #tpu.memory_space<vmem>>) target_semaphore(%run_scoped3A : memref<!tpu.dma_semaphore, #tpu.memory_space<semaphore_mem>>)
      %dma_wait3A = tpu.memref_slice %arg2[%mul3A_2] : memref<262144xf32, #tpu.memory_space<hbm>> -> memref<8192xf32, #tpu.memory_space<hbm>>
      %dma_wait3A_20 = tpu.memref_slice %arg2[%mul3A_2] : memref<262144xf32, #tpu.memory_space<hbm>> -> memref<8192xf32, #tpu.memory_space<hbm>>
      tpu.wait_dma2 semaphore(%run_scoped3A : memref<!tpu.dma_semaphore, #tpu.memory_space<semaphore_mem>>) src(%dma_wait3A_20 : memref<8192xf32, #tpu.memory_space<hbm>>) dst(%arg6 : memref<8192xf32, #tpu.memory_space<vmem>>)
      tpu.yield
    }) : () -> ()
    %iota3A = tpu.iota {dimensions = array<i32: 0>} : vector<16xi32>
    %xor3A = arith.constant 1 : i32
    %xor3A_3 = vector.broadcast %xor3A : i32 to vector<16xi32>
    %xor3A_4 = arith.xori %iota3A, %xor3A_3 : vector<16xi32>
    %xor3A_5 = arith.constant 2 : i32
    %xor3A_6 = vector.broadcast %xor3A_5 : i32 to vector<16xi32>
    %xor3A_7 = arith.xori %iota3A, %xor3A_6 : vector<16xi32>
    %xor3A_8 = arith.constant 4 : i32
    %xor3A_9 = vector.broadcast %xor3A_8 : i32 to vector<16xi32>
    %xor3A_10 = arith.xori %iota3A, %xor3A_9 : vector<16xi32>
    %xor3A_11 = arith.constant 8 : i32
    %xor3A_12 = vector.broadcast %xor3A_11 : i32 to vector<16xi32>
    %xor3A_13 = arith.xori %iota3A, %xor3A_12 : vector<16xi32>
    %scan3A = arith.constant 0 : i32
    %scan3A_14 = arith.constant 0 : i32
    %scan3A_15 = arith.constant 512 : i32
    %scan3A_16 = arith.addi %scan3A_14, %scan3A_15 : i32
    %scan3A_17 = arith.constant 1 : i32
    scf.for %scan3A_19 = %scan3A_14 to %scan3A_16 step %scan3A_17  : i32 {
      %mul3A_20 = arith.constant 16 : i32
      %mul3A_21 = arith.muli %scan3A_19, %mul3A_20 : i32
      %get3A = arith.index_cast %mul3A_21 : i32 to index
      %get3A_22 = tpu.vector_load %arg6[%get3A] {strides = array<i32>} : memref<8192xf32, #tpu.memory_space<vmem>>, vector<16xf32>,
      %get3A_23 = vector.shape_cast %get3A_22 : vector<16xf32> to vector<16xf32>
      %broadcast_in_dim3A = vector.shape_cast %xor3A_4 : vector<16xi32> to vector<16x1xi32>
      %gather3A = vector.shape_cast %broadcast_in_dim3A : vector<16x1xi32> to vector<16xi32>
      %gather3A_24 = tpu.dynamic_gather %get3A_23[%gather3A] in [0] : vector<16xf32>, vector<16xi32> -> vector<16xf32>
      %max3A = arith.maximumf %get3A_23, %gather3A_24 : vector<16xf32>
      %broadcast_in_dim3A_25 = vector.shape_cast %xor3A_7 : vector<16xi32> to vector<16x1xi32>
      %gather3A_26 = vector.shape_cast %broadcast_in_dim3A_25 : vector<16x1xi32> to vector<16xi32>
      %gather3A_27 = tpu.dynamic_gather %max3A[%gather3A_26] in [0] : vector<16xf32>, vector<16xi32> -> vector<16xf32>
      %max3A_28 = arith.maximumf %max3A, %gather3A_27 : vector<16xf32>
      %broadcast_in_dim3A_29 = vector.shape_cast %xor3A_10 : vector<16xi32> to vector<16x1xi32>
      %gather3A_30 = vector.shape_cast %broadcast_in_dim3A_29 : vector<16x1xi32> to vector<16xi32>
      %gather3A_31 = tpu.dynamic_gather %max3A_28[%gather3A_30] in [0] : vector<16xf32>, vector<16xi32> -> vector<16xf32>
      %max3A_32 = arith.maximumf %max3A_28, %gather3A_31 : vector<16xf32>
      %broadcast_in_dim3A_33 = vector.shape_cast %xor3A_13 : vector<16xi32> to vector<16x1xi32>
      %gather3A_34 = vector.shape_cast %broadcast_in_dim3A_33 : vector<16x1xi32> to vector<16xi32>
      %gather3A_35 = tpu.dynamic_gather %max3A_32[%gather3A_34] in [0] : vector<16xf32>, vector<16xi32> -> vector<16xf32>
      %max3A_36 = arith.maximumf %max3A_32, %gather3A_35 : vector<16xf32>
      %eq3A = arith.cmpf oeq, %get3A_23, %max3A_36 : vector<16xf32>
      %jit3A = arith.constant 16 : i32
      %broadcast_in_dim3A_37 = vector.broadcast %jit3A : i32 to vector<16xi32>
      %select_n3A = arith.select %eq3A, %iota3A, %broadcast_in_dim3A_37 : vector<16xi1>, vector<16xi32>
      %broadcast_in_dim3A_38 = vector.shape_cast %xor3A_4 : vector<16xi32> to vector<16x1xi32>
      %gather3A_39 = vector.shape_cast %broadcast_in_dim3A_38 : vector<16x1xi32> to vector<16xi32>
      %gather3A_40 = tpu.dynamic_gather %select_n3A[%gather3A_39] in [0] : vector<16xi32>, vector<16xi32> -> vector<16xi32>
      %min3A = arith.minsi %select_n3A, %gather3A_40 : vector<16xi32>
      %broadcast_in_dim3A_41 = vector.shape_cast %xor3A_7 : vector<16xi32> to vector<16x1xi32>
      %gather3A_42 = vector.shape_cast %broadcast_in_dim3A_41 : vector<16x1xi32> to vector<16xi32>
      %gather3A_43 = tpu.dynamic_gather %min3A[%gather3A_42] in [0] : vector<16xi32>, vector<16xi32> -> vector<16xi32>
      %min3A_44 = arith.minsi %min3A, %gather3A_43 : vector<16xi32>
      %broadcast_in_dim3A_45 = vector.shape_cast %xor3A_10 : vector<16xi32> to vector<16x1xi32>
      %gather3A_46 = vector.shape_cast %broadcast_in_dim3A_45 : vector<16x1xi32> to vector<16xi32>
      %gather3A_47 = tpu.dynamic_gather %min3A_44[%gather3A_46] in [0] : vector<16xi32>, vector<16xi32> -> vector<16xi32>
      %min3A_48 = arith.minsi %min3A_44, %gather3A_47 : vector<16xi32>
      %broadcast_in_dim3A_49 = vector.shape_cast %xor3A_13 : vector<16xi32> to vector<16x1xi32>
      %gather3A_50 = vector.shape_cast %broadcast_in_dim3A_49 : vector<16x1xi32> to vector<16xi32>
      %gather3A_51 = tpu.dynamic_gather %min3A_48[%gather3A_50] in [0] : vector<16xi32>, vector<16xi32> -> vector<16xi32>
      %min3A_52 = arith.minsi %min3A_48, %gather3A_51 : vector<16xi32>
      %eq3A_53 = arith.cmpi eq, %iota3A, %min3A_52 : vector<16xi32>
      %jit3A_54 = arith.constant 0xFF800000 : f32
      %broadcast_in_dim3A_55 = vector.broadcast %jit3A_54 : f32 to vector<16xf32>
      %select_n3A_56 = arith.select %eq3A_53, %broadcast_in_dim3A_55, %get3A_23 : vector<16xi1>, vector<16xf32>
      %broadcast_in_dim3A_57 = vector.shape_cast %xor3A_4 : vector<16xi32> to vector<16x1xi32>
      %gather3A_58 = vector.shape_cast %broadcast_in_dim3A_57 : vector<16x1xi32> to vector<16xi32>
      %gather3A_59 = tpu.dynamic_gather %select_n3A_56[%gather3A_58] in [0] : vector<16xf32>, vector<16xi32> -> vector<16xf32>
      %max3A_60 = arith.maximumf %select_n3A_56, %gather3A_59 : vector<16xf32>
      %broadcast_in_dim3A_61 = vector.shape_cast %xor3A_7 : vector<16xi32> to vector<16x1xi32>
      %gather3A_62 = vector.shape_cast %broadcast_in_dim3A_61 : vector<16x1xi32> to vector<16xi32>
      %gather3A_63 = tpu.dynamic_gather %max3A_60[%gather3A_62] in [0] : vector<16xf32>, vector<16xi32> -> vector<16xf32>
      %max3A_64 = arith.maximumf %max3A_60, %gather3A_63 : vector<16xf32>
      %broadcast_in_dim3A_65 = vector.shape_cast %xor3A_10 : vector<16xi32> to vector<16x1xi32>
      %gather3A_66 = vector.shape_cast %broadcast_in_dim3A_65 : vector<16x1xi32> to vector<16xi32>
      %gather3A_67 = tpu.dynamic_gather %max3A_64[%gather3A_66] in [0] : vector<16xf32>, vector<16xi32> -> vector<16xf32>
      %max3A_68 = arith.maximumf %max3A_64, %gather3A_67 : vector<16xf32>
      %broadcast_in_dim3A_69 = vector.shape_cast %xor3A_13 : vector<16xi32> to vector<16x1xi32>
      %gather3A_70 = vector.shape_cast %broadcast_in_dim3A_69 : vector<16x1xi32> to vector<16xi32>
      %gather3A_71 = tpu.dynamic_gather %max3A_68[%gather3A_70] in [0] : vector<16xf32>, vector<16xi32> -> vector<16xf32>
      %max3A_72 = arith.maximumf %max3A_68, %gather3A_71 : vector<16xf32>
      %eq3A_73 = arith.cmpf oeq, %select_n3A_56, %max3A_72 : vector<16xf32>
      %jit3A_74 = arith.constant 16 : i32
      %broadcast_in_dim3A_75 = vector.broadcast %jit3A_74 : i32 to vector<16xi32>
      %select_n3A_76 = arith.select %eq3A_73, %iota3A, %broadcast_in_dim3A_75 : vector<16xi1>, vector<16xi32>
      %broadcast_in_dim3A_77 = vector.shape_cast %xor3A_4 : vector<16xi32> to vector<16x1xi32>
      %gather3A_78 = vector.shape_cast %broadcast_in_dim3A_77 : vector<16x1xi32> to vector<16xi32>
      %gather3A_79 = tpu.dynamic_gather %select_n3A_76[%gather3A_78] in [0] : vector<16xi32>, vector<16xi32> -> vector<16xi32>
      %min3A_80 = arith.minsi %select_n3A_76, %gather3A_79 : vector<16xi32>
      %broadcast_in_dim3A_81 = vector.shape_cast %xor3A_7 : vector<16xi32> to vector<16x1xi32>
      %gather3A_82 = vector.shape_cast %broadcast_in_dim3A_81 : vector<16x1xi32> to vector<16xi32>
      %gather3A_83 = tpu.dynamic_gather %min3A_80[%gather3A_82] in [0] : vector<16xi32>, vector<16xi32> -> vector<16xi32>
      %min3A_84 = arith.minsi %min3A_80, %gather3A_83 : vector<16xi32>
      %broadcast_in_dim3A_85 = vector.shape_cast %xor3A_10 : vector<16xi32> to vector<16x1xi32>
      %gather3A_86 = vector.shape_cast %broadcast_in_dim3A_85 : vector<16x1xi32> to vector<16xi32>
      %gather3A_87 = tpu.dynamic_gather %min3A_84[%gather3A_86] in [0] : vector<16xi32>, vector<16xi32> -> vector<16xi32>
      %min3A_88 = arith.minsi %min3A_84, %gather3A_87 : vector<16xi32>
      %broadcast_in_dim3A_89 = vector.shape_cast %xor3A_13 : vector<16xi32> to vector<16x1xi32>
      %gather3A_90 = vector.shape_cast %broadcast_in_dim3A_89 : vector<16x1xi32> to vector<16xi32>
      %gather3A_91 = tpu.dynamic_gather %min3A_88[%gather3A_90] in [0] : vector<16xi32>, vector<16xi32> -> vector<16xi32>
      %min3A_92 = arith.minsi %min3A_88, %gather3A_91 : vector<16xi32>
      %add3A_93 = arith.addf %max3A_36, %max3A_72 : vector<16xf32>
      %div3A = arith.divf %max3A_36, %add3A_93 : vector<16xf32>
      %div3A_94 = arith.divf %max3A_72, %add3A_93 : vector<16xf32>
      %mul3A_95 = arith.constant 16 : i32
      %mul3A_96 = arith.muli %scan3A_19, %mul3A_95 : i32
      %eq3A_97 = arith.cmpi eq, %iota3A, %min3A_52 : vector<16xi32>
      %eq3A_98 = arith.cmpi eq, %iota3A, %min3A_92 : vector<16xi32>
      %jit3A_99 = arith.constant 0.000000e+00 : f32
      %broadcast_in_dim3A_100 = vector.broadcast %jit3A_99 : f32 to vector<16xf32>
      %select_n3A_101 = arith.select %eq3A_98, %div3A_94, %broadcast_in_dim3A_100 : vector<16xi1>, vector<16xf32>
      %select_n3A_102 = arith.select %eq3A_97, %div3A, %select_n3A_101 : vector<16xi1>, vector<16xf32>
      %swap3A = arith.index_cast %mul3A_96 : i32 to index
      %swap3A_103 = tpu.vector_load %arg7[%swap3A] {strides = array<i32>} : memref<8192xf32, #tpu.memory_space<vmem>>, vector<16xf32>,
      %swap3A_104 = vector.shape_cast %swap3A_103 : vector<16xf32> to vector<16xf32>
      %swap3A_105 = vector.shape_cast %select_n3A_102 : vector<16xf32> to vector<16xf32>
      tpu.vector_store %arg7[%swap3A], %swap3A_105 {strides = array<i32>} : memref<8192xf32, #tpu.memory_space<vmem>>, vector<16xf32>,
      %eq3A_106 = arith.constant 0 : i32
      %eq3A_107 = vector.broadcast %eq3A_106 : i32 to vector<16xi32>
      %eq3A_108 = arith.cmpi eq, %iota3A, %eq3A_107 : vector<16xi32>
      %eq3A_109 = arith.constant 1 : i32
      %eq3A_110 = vector.broadcast %eq3A_109 : i32 to vector<16xi32>
      %eq3A_111 = arith.cmpi eq, %iota3A, %eq3A_110 : vector<16xi32>
      %jit3A_112 = arith.constant 0 : i32
      %broadcast_in_dim3A_113 = vector.broadcast %jit3A_112 : i32 to vector<16xi32>
      %select_n3A_114 = arith.select %eq3A_111, %min3A_92, %broadcast_in_dim3A_113 : vector<16xi1>, vector<16xi32>
      %select_n3A_115 = arith.select %eq3A_108, %min3A_52, %select_n3A_114 : vector<16xi1>, vector<16xi32>
      %swap3A_116 = arith.index_cast %mul3A_96 : i32 to index
      %swap3A_117 = tpu.vector_load %arg8[%swap3A_116] {strides = array<i32>} : memref<8192xi32, #tpu.memory_space<vmem>>, vector<16xi32>,
      %swap3A_118 = vector.shape_cast %swap3A_117 : vector<16xi32> to vector<16xi32>
      %swap3A_119 = vector.shape_cast %select_n3A_115 : vector<16xi32> to vector<16xi32>
      tpu.vector_store %arg8[%swap3A_116], %swap3A_119 {strides = array<i32>} : memref<8192xi32, #tpu.memory_space<vmem>>, vector<16xi32>,
      %eq3A_120 = arith.constant 0 : i32
      %eq3A_121 = vector.broadcast %eq3A_120 : i32 to vector<16xi32>
      %eq3A_122 = arith.cmpi eq, %iota3A, %eq3A_121 : vector<16xi32>
      %eq3A_123 = arith.constant 1 : i32
      %eq3A_124 = vector.broadcast %eq3A_123 : i32 to vector<16xi32>
      %eq3A_125 = arith.cmpi eq, %iota3A, %eq3A_124 : vector<16xi32>
      %jit3A_126 = arith.constant 0.000000e+00 : f32
      %broadcast_in_dim3A_127 = vector.broadcast %jit3A_126 : f32 to vector<16xf32>
      %select_n3A_128 = arith.select %eq3A_125, %div3A_94, %broadcast_in_dim3A_127 : vector<16xi1>, vector<16xf32>
      %select_n3A_129 = arith.select %eq3A_122, %div3A, %select_n3A_128 : vector<16xi1>, vector<16xf32>
      %swap3A_130 = arith.index_cast %mul3A_96 : i32 to index
      %swap3A_131 = tpu.vector_load %arg9[%swap3A_130] {strides = array<i32>} : memref<8192xf32, #tpu.memory_space<vmem>>, vector<16xf32>,
      %swap3A_132 = vector.shape_cast %swap3A_131 : vector<16xf32> to vector<16xf32>
      %swap3A_133 = vector.shape_cast %select_n3A_129 : vector<16xf32> to vector<16xf32>
      tpu.vector_store %arg9[%swap3A_130], %swap3A_133 {strides = array<i32>} : memref<8192xf32, #tpu.memory_space<vmem>>, vector<16xf32>,
    }
    %scan3A_18 = arith.constant 512 : i32
    "tpu.region"() ({
      %run_scoped3A = tpu.sem_alloc : memref<!tpu.dma_semaphore, #tpu.memory_space<semaphore_mem>>
      %dma_start3A = tpu.memref_slice %arg3[%mul3A_2] : memref<262144xf32, #tpu.memory_space<hbm>> -> memref<8192xf32, #tpu.memory_space<hbm>>
      %dma_start3A_19 = tpu.memref_slice %arg3[%mul3A_2] : memref<262144xf32, #tpu.memory_space<hbm>> -> memref<8192xf32, #tpu.memory_space<hbm>>
      tpu.enqueue_dma source(%arg7 : memref<8192xf32, #tpu.memory_space<vmem>>) target(%dma_start3A_19 : memref<8192xf32, #tpu.memory_space<hbm>>) target_semaphore(%run_scoped3A : memref<!tpu.dma_semaphore, #tpu.memory_space<semaphore_mem>>)
      %dma_wait3A = tpu.memref_slice %arg3[%mul3A_2] : memref<262144xf32, #tpu.memory_space<hbm>> -> memref<8192xf32, #tpu.memory_space<hbm>>
      %dma_wait3A_20 = tpu.memref_slice %arg3[%mul3A_2] : memref<262144xf32, #tpu.memory_space<hbm>> -> memref<8192xf32, #tpu.memory_space<hbm>>
      tpu.wait_dma2 semaphore(%run_scoped3A : memref<!tpu.dma_semaphore, #tpu.memory_space<semaphore_mem>>) src(%arg7 : memref<8192xf32, #tpu.memory_space<vmem>>) dst(%dma_wait3A_20 : memref<8192xf32, #tpu.memory_space<hbm>>)
      tpu.yield
    }) : () -> ()
    "tpu.region"() ({
      %run_scoped3A = tpu.sem_alloc : memref<!tpu.dma_semaphore, #tpu.memory_space<semaphore_mem>>
      %dma_start3A = tpu.memref_slice %arg4[%mul3A_2] : memref<262144xi32, #tpu.memory_space<hbm>> -> memref<8192xi32, #tpu.memory_space<hbm>>
      %dma_start3A_19 = tpu.memref_slice %arg4[%mul3A_2] : memref<262144xi32, #tpu.memory_space<hbm>> -> memref<8192xi32, #tpu.memory_space<hbm>>
      tpu.enqueue_dma source(%arg8 : memref<8192xi32, #tpu.memory_space<vmem>>) target(%dma_start3A_19 : memref<8192xi32, #tpu.memory_space<hbm>>) target_semaphore(%run_scoped3A : memref<!tpu.dma_semaphore, #tpu.memory_space<semaphore_mem>>)
      %dma_wait3A = tpu.memref_slice %arg4[%mul3A_2] : memref<262144xi32, #tpu.memory_space<hbm>> -> memref<8192xi32, #tpu.memory_space<hbm>>
      %dma_wait3A_20 = tpu.memref_slice %arg4[%mul3A_2] : memref<262144xi32, #tpu.memory_space<hbm>> -> memref<8192xi32, #tpu.memory_space<hbm>>
      tpu.wait_dma2 semaphore(%run_scoped3A : memref<!tpu.dma_semaphore, #tpu.memory_space<semaphore_mem>>) src(%arg8 : memref<8192xi32, #tpu.memory_space<vmem>>) dst(%dma_wait3A_20 : memref<8192xi32, #tpu.memory_space<hbm>>)
      tpu.yield
    }) : () -> ()
    "tpu.region"() ({
      %run_scoped3A = tpu.sem_alloc : memref<!tpu.dma_semaphore, #tpu.memory_space<semaphore_mem>>
      %dma_start3A = tpu.memref_slice %arg5[%mul3A_2] : memref<262144xf32, #tpu.memory_space<hbm>> -> memref<8192xf32, #tpu.memory_space<hbm>>
      %dma_start3A_19 = tpu.memref_slice %arg5[%mul3A_2] : memref<262144xf32, #tpu.memory_space<hbm>> -> memref<8192xf32, #tpu.memory_space<hbm>>
      tpu.enqueue_dma source(%arg9 : memref<8192xf32, #tpu.memory_space<vmem>>) target(%dma_start3A_19 : memref<8192xf32, #tpu.memory_space<hbm>>) target_semaphore(%run_scoped3A : memref<!tpu.dma_semaphore, #tpu.memory_space<semaphore_mem>>)
      %dma_wait3A = tpu.memref_slice %arg5[%mul3A_2] : memref<262144xf32, #tpu.memory_space<hbm>> -> memref<8192xf32, #tpu.memory_space<hbm>>
      %dma_wait3A_20 = tpu.memref_slice %arg5[%mul3A_2] : memref<262144xf32, #tpu.memory_space<hbm>> -> memref<8192xf32, #tpu.memory_space<hbm>>
      tpu.wait_dma2 semaphore(%run_scoped3A : memref<!tpu.dma_semaphore, #tpu.memory_space<semaphore_mem>>) src(%arg9 : memref<8192xf32, #tpu.memory_space<vmem>>) dst(%dma_wait3A_20 : memref<8192xf32, #tpu.memory_space<hbm>>)
      tpu.yield
    }) : () -> ()
    return
  }
}

module attributes {stable_mosaic.version = 14 : i64} {
  func.func @_probs_kernel(%arg0: i32, %arg1: memref<2048x256xf32, #tpu.memory_space<vmem>>, %arg2: memref<2048x256xf32, #tpu.memory_space<vmem>>, %arg3: memref<2048x256xf32, #tpu.memory_space<vmem>>, %arg4: memref<2048x256xf32, #tpu.memory_space<vmem>>, %arg5: memref<16x1024xf32, #tpu.memory_space<vmem>>, %arg6: memref<1x16xf32, #tpu.memory_space<vmem>>, %arg7: memref<2048x16xf32, #tpu.memory_space<vmem>>) attributes {dimension_semantics = [#tpu.dimension_semantics<arbitrary>], iteration_bounds = array<i64: 8>, scalar_prefetch = 0 : i64, scratch_operands = 0 : i64, tpu.core_type = #tpu.core_type<tc>, window_params = [{transform_indices = @transform_0, window_bounds = array<i64: 2048, 256>}, {transform_indices = @transform_1, window_bounds = array<i64: 2048, 256>}, {transform_indices = @transform_2, window_bounds = array<i64: 2048, 256>}, {transform_indices = @transform_3, window_bounds = array<i64: 2048, 256>}, {pipeline_mode = #tpu.pipeline_mode<synchronous>, transform_indices = @transform_4, window_bounds = array<i64: 16, 1024>}, {pipeline_mode = #tpu.pipeline_mode<synchronous>, transform_indices = @transform_5, window_bounds = array<i64: 1, 16>}, {transform_indices = @transform_6, window_bounds = array<i64: 2048, 16>}]} {
    %get3A = arith.constant 0 : index
    %get3A_0 = arith.constant 0 : index
    %get3A_1 = vector.load %arg5[%get3A, %get3A_0] : memref<16x1024xf32, #tpu.memory_space<vmem>>, vector<16x1024xf32>
    %get3A_2 = arith.constant 0 : index
    %get3A_3 = arith.constant 0 : index
    %get3A_4 = vector.load %arg6[%get3A_2, %get3A_3] : memref<1x16xf32, #tpu.memory_space<vmem>>, vector<1x16xf32>
    %get3A_5 = arith.constant 0 : index
    %get3A_6 = arith.constant 0 : index
    %get3A_7 = vector.load %arg1[%get3A_5, %get3A_6] : memref<2048x256xf32, #tpu.memory_space<vmem>>, vector<2048x256xf32>
    %slice3A = vector.extract_strided_slice %get3A_1 {offsets = [0, 0], sizes = [16, 256], strides = [1, 1]} : vector<16x1024xf32> to vector<16x256xf32>
    %dot_general3A = arith.constant dense<0.000000e+00> : vector<2048x16xf32>
    %dot_general3A_8 = tpu.matmul %get3A_7, %slice3A, %dot_general3A {dimension_numbers = #tpu.dot_dimension_numbers<[1], [1], [0], [0], [0, 0, 1, 0], [], []>, transpose_lhs_hint = false} : vector<2048x256xf32>, vector<16x256xf32>, vector<2048x16xf32> -> vector<2048x16xf32>
    %add3A = vector.broadcast %get3A_4 : vector<1x16xf32> to vector<2048x16xf32>
    %add3A_9 = arith.addf %add3A, %dot_general3A_8 : vector<2048x16xf32>
    %get3A_10 = arith.constant 0 : index
    %get3A_11 = arith.constant 0 : index
    %get3A_12 = vector.load %arg2[%get3A_10, %get3A_11] : memref<2048x256xf32, #tpu.memory_space<vmem>>, vector<2048x256xf32>
    %slice3A_13 = vector.extract_strided_slice %get3A_1 {offsets = [0, 256], sizes = [16, 256], strides = [1, 1]} : vector<16x1024xf32> to vector<16x256xf32>
    %dot_general3A_14 = arith.constant dense<0.000000e+00> : vector<2048x16xf32>
    %dot_general3A_15 = tpu.matmul %get3A_12, %slice3A_13, %dot_general3A_14 {dimension_numbers = #tpu.dot_dimension_numbers<[1], [1], [0], [0], [0, 0, 1, 0], [], []>, transpose_lhs_hint = false} : vector<2048x256xf32>, vector<16x256xf32>, vector<2048x16xf32> -> vector<2048x16xf32>
    %add3A_16 = arith.addf %add3A_9, %dot_general3A_15 : vector<2048x16xf32>
    %get3A_17 = arith.constant 0 : index
    %get3A_18 = arith.constant 0 : index
    %get3A_19 = vector.load %arg3[%get3A_17, %get3A_18] : memref<2048x256xf32, #tpu.memory_space<vmem>>, vector<2048x256xf32>
    %slice3A_20 = vector.extract_strided_slice %get3A_1 {offsets = [0, 512], sizes = [16, 256], strides = [1, 1]} : vector<16x1024xf32> to vector<16x256xf32>
    %dot_general3A_21 = arith.constant dense<0.000000e+00> : vector<2048x16xf32>
    %dot_general3A_22 = tpu.matmul %get3A_19, %slice3A_20, %dot_general3A_21 {dimension_numbers = #tpu.dot_dimension_numbers<[1], [1], [0], [0], [0, 0, 1, 0], [], []>, transpose_lhs_hint = false} : vector<2048x256xf32>, vector<16x256xf32>, vector<2048x16xf32> -> vector<2048x16xf32>
    %add3A_23 = arith.addf %add3A_16, %dot_general3A_22 : vector<2048x16xf32>
    %get3A_24 = arith.constant 0 : index
    %get3A_25 = arith.constant 0 : index
    %get3A_26 = vector.load %arg4[%get3A_24, %get3A_25] : memref<2048x256xf32, #tpu.memory_space<vmem>>, vector<2048x256xf32>
    %slice3A_27 = vector.extract_strided_slice %get3A_1 {offsets = [0, 768], sizes = [16, 256], strides = [1, 1]} : vector<16x1024xf32> to vector<16x256xf32>
    %dot_general3A_28 = arith.constant dense<0.000000e+00> : vector<2048x16xf32>
    %dot_general3A_29 = tpu.matmul %get3A_26, %slice3A_27, %dot_general3A_28 {dimension_numbers = #tpu.dot_dimension_numbers<[1], [1], [0], [0], [0, 0, 1, 0], [], []>, transpose_lhs_hint = false} : vector<2048x256xf32>, vector<16x256xf32>, vector<2048x16xf32> -> vector<2048x16xf32>
    %add3A_30 = arith.addf %add3A_23, %dot_general3A_29 : vector<2048x16xf32>
    %reduce_max3A = arith.constant dense<0xFF800000> : vector<2048xf32>
    %reduce_max3A_31 = vector.multi_reduction <maximumf>, %add3A_30, %reduce_max3A [1] : vector<2048x16xf32> to vector<2048xf32>
    %broadcast_in_dim3A = vector.shape_cast %reduce_max3A_31 : vector<2048xf32> to vector<2048x1xf32>
    %sub3A = vector.broadcast %broadcast_in_dim3A : vector<2048x1xf32> to vector<2048x16xf32>
    %sub3A_32 = arith.subf %add3A_30, %sub3A : vector<2048x16xf32>
    %exp3A = math.exp %sub3A_32 : vector<2048x16xf32>
    %reduce_sum3A = arith.constant dense<0.000000e+00> : vector<2048xf32>
    %reduce_sum3A_33 = vector.multi_reduction <add>, %exp3A, %reduce_sum3A [1] : vector<2048x16xf32> to vector<2048xf32>
    %broadcast_in_dim3A_34 = vector.shape_cast %reduce_sum3A_33 : vector<2048xf32> to vector<2048x1xf32>
    %div3A = vector.broadcast %broadcast_in_dim3A_34 : vector<2048x1xf32> to vector<2048x16xf32>
    %div3A_35 = arith.divf %exp3A, %div3A : vector<2048x16xf32>
    %swap3A = arith.constant 0 : index
    %swap3A_36 = arith.constant 0 : index
    %swap3A_37 = vector.load %arg7[%swap3A, %swap3A_36] : memref<2048x16xf32, #tpu.memory_space<vmem>>, vector<2048x16xf32>
    tpu.vector_store %arg7[%swap3A, %swap3A_36], %div3A_35 {strides = array<i32>} : memref<2048x16xf32, #tpu.memory_space<vmem>>, vector<2048x16xf32>,
    return
  }
  func.func @transform_0(%arg0: i32) -> (i32, i32) {
    %c0_i32 = arith.constant 0 : i32
    %c0_i32_0 = arith.constant 0 : i32
    return %arg0, %c0_i32 : i32, i32
  }
  func.func @transform_1(%arg0: i32) -> (i32, i32) {
    %c1_i32 = arith.constant 1 : i32
    %c0_i32 = arith.constant 0 : i32
    return %arg0, %c1_i32 : i32, i32
  }
  func.func @transform_2(%arg0: i32) -> (i32, i32) {
    %c2_i32 = arith.constant 2 : i32
    %c0_i32 = arith.constant 0 : i32
    return %arg0, %c2_i32 : i32, i32
  }
  func.func @transform_3(%arg0: i32) -> (i32, i32) {
    %c3_i32 = arith.constant 3 : i32
    %c0_i32 = arith.constant 0 : i32
    return %arg0, %c3_i32 : i32, i32
  }
  func.func @transform_4(%arg0: i32) -> (i32, i32) {
    %c0_i32 = arith.constant 0 : i32
    %c0_i32_0 = arith.constant 0 : i32
    %c0_i32_1 = arith.constant 0 : i32
    return %c0_i32, %c0_i32_0 : i32, i32
  }
  func.func @transform_5(%arg0: i32) -> (i32, i32) {
    %c0_i32 = arith.constant 0 : i32
    %c0_i32_0 = arith.constant 0 : i32
    %c0_i32_1 = arith.constant 0 : i32
    return %c0_i32, %c0_i32_0 : i32, i32
  }
  func.func @transform_6(%arg0: i32) -> (i32, i32) {
    %c0_i32 = arith.constant 0 : i32
    %c0_i32_0 = arith.constant 0 : i32
    return %arg0, %c0_i32 : i32, i32
  }
}

</mosaic_0001>

<sc_bundles>
// kernel: kernel.4.cloned.1.call-start
scs
__scs_entry_jumppad:
0x0: {  	(pc) =	sbr.rel $0x88, $3  }
0x1: {  	(tag) =	ssettag $0x0;
	lr =	simm.s32 $0x1  }
0x2: {  	[smem:$0x3F9E] =	sst lr;
	_ =	strace $0xD0000000  }
0x3: {  	_ = 	snop  }
0x4: {  	_ = 	snop  }
0x5: {  	_ = 	snop  }
0x6: {  	_ = 	snop  }
0x7: {  	_ = 	snop  }
__scs_overlays_trampoline_lowered:
0x8: {  	[smem:$0x3FAD] =	sst s0  }
0x9: {  	[smem:$0x3FAE] =	sst s1  }
0xa: {  	[smem:$0x3FAF] =	sst s2  }
0xb: {  	[smem:$0x3FB0] =	sst s3  }
0xc: {  	[smem:$0x3FB1] =	sst s4  }
0xd: {  	[smem:$0x3FB2] =	sst s5  }
0xe: {  	[smem:$0x3FB3] =	sst s6  }
0xf: {  	[smem:$0x3FB4] =	sst s7  }
0x10: {  	[smem:$0x3FB5] =	sst s8  }
0x11: {  	[smem:$0x3FB6] =	sst s9;
	s0 =	simm.s32 @!p0 $0x0  }
0x12: {  	s1 =	sld [smem:$0x3F9C];
	s0 =	simm.s32 @p0 $0x1  }
0x13: {  	[smem:$0x3FB7] =	sst s0;
	s0 =	simm.s32 @!p1 $0x0  }
0x14: {  	s2 =	sld [smem:$0x3F9B];
	s0 =	simm.s32 @p1 $0x1  }
0x15: {  	[smem:$0x3FB8] =	sst s0;
	s0 =	simm.s32 @!p2 $0x0  }
0x16: {  	s3 =	sld [smem:$0x3FDB];
	s0 =	simm.s32 @p2 $0x1  }
0x17: {  	s4 =	simm.s32 $0x1BF5;
	[smem:$0x3FBA] =	sst s0  }
0x18: {  	s0 =	sld [smem:$0x3F9D];
	_ =	swait.ge [sflag:s4], $0x0  }
0x19: {  	s7 =	sld [smem:$0x3F9E]  }
0x1a: {  	s8 =	sadd.s32 $0xFFFFE003, lr  }
0x1b: {  	s9 =	sadd.s32 $0xFFFFFEF7, lr;
	s5 =	simm.s32 $0xFFFFFFFF;
	p2 =	slt.u32 s8, $0xFFFFF086  }
0x1c: {  	p1 =	slt.u32 s9, $0xF7A;
	s5 =	simm.s32 @!p2 $0x0  }
0x1d: {  	s5 =	simm.s32 @p1 $0x1;
	p0 =	seq.s32 s7, s2  }
0x1e: {  	s7 =	smul.u32 @!p0 $0xF7A, s2;
	p2 =	seq.s32 @!p0 s5, $0x0  }
0x1f: {  	s9 =	smul.u32 $0xF7A, s1;
	s8 =	simm.s32 @!p0 $0x1BF5;
	p2 =	por !p2, p0  }
0x20: {  	[sflag:s8] =	ssyncset.s32 @!p0 $0xFFFFF086;
	s6 =	sadd.s32 @!p0 s3, s7;
	s7 =	simm.s32 @!p0 $0x108  }
0x21: {  	s3 =	sadd.s32 s3, s9;
	s6 =	sadd.s32 @!p0 $0x88, s6;
	s7 =	simm.s32 @p2 $0x1082  }
0x22: {  	[simem:s7], [sflag:s8] =	dma.local @!p0 [hbm:s6], $0xF7A  }
0x23: {  	s9 =	sor.u32 $0xD0000000, s2;
	s6 =	simm.s32 $0x108;
	_ =	swait.ge @!p0 [sflag:s8], $0x0  }
0x24: {  	s3 =	sadd.s32 $0x88, s3;
	s6 =	simm.s32 @!p1 $0x1082;
	[sflag:s4] =	ssyncset.s32 $0xFFFFF086  }
0x25: {  	[simem:s6], [sflag:s4] =	dma.local [hbm:s3], $0xF7A  }
0x26: {  	[smem:$0x3F9E] =	sst s1;
	(tag) =	ssettag s2;
	_ =	strace s9  }
0x27: {  	s1 =	sld [smem:$0x3FAE]  }
0x28: {  	s2 =	sld [smem:$0x3FAF]  }
0x29: {  	s4 =	sld [smem:$0x3FB1]  }
0x2a: {  	p0 =	seq.s32 s5, $0x0;
	s5 =	sld [smem:$0x3FB2]  }
0x2b: {  	s6 =	sld [smem:$0x3FB3]  }
0x2c: {  	s7 =	sld [smem:$0x3FB4]  }
0x2d: {  	s3 =	simm.s32 $0x108;
	s8 =	sld [smem:$0x3FB5]  }
0x2e: {  	s3 =	simm.s32 @!p0 $0x1082;
	s9 =	sld [smem:$0x3FB6]  }
0x2f: {  	lr =	sadd.s32 s0, s3;
	s0 =	sld [smem:$0x3FAD]  }
0x30: {  	s3 =	sld [smem:$0x3FB0]  }
0x31: {  	[smem:$0x3FB9] =	sst s10  }
0x32: {  	s10 =	sld [smem:$0x3FB7];
	_ =	sdelay $0x3  }
0x33: {  	p0 =	seq.s32 s10, $0x1;
	s10 =	sld [smem:$0x3FB9];
	_ =	sdelay $0x3  }
0x34: {  	[smem:$0x3FB9] =	sst s10  }
0x35: {  	s10 =	sld [smem:$0x3FB8];
	_ =	sdelay $0x3  }
0x36: {  	p1 =	seq.s32 s10, $0x1;
	s10 =	sld [smem:$0x3FB9];
	_ =	sdelay $0x3  }
0x37: {  	[smem:$0x3FB9] =	sst s10  }
0x38: {  	s10 =	sld [smem:$0x3FBA]  }
0x39: {  	_ = 	snop;
	(pc) =	sbr.ind lr, $3  }
0x3a: {  	_ = 	snop  }
0x3b: {  	_ = 	snop  }
0x3c: {  	p2 =	seq.s32 s10, $0x1;
	s10 =	sld [smem:$0x3FB9]  }
0x3d: {  	_ =	shalt  }
0x3e: {  	_ =	shalt  }
0x3f: {  	_ =	shalt  }
0x40: {  	_ =	shalt  }
0x41: {  	_ =	shalt  }
0x42: {  	_ =	shalt  }
0x43: {  	_ =	shalt  }
0x44: {  	_ =	shalt  }
0x45: {  	_ =	shalt  }
0x46: {  	_ =	shalt  }
0x47: {  	_ =	shalt  }
0x48: {  	_ =	shalt  }
0x49: {  	_ =	shalt  }
0x4a: {  	_ =	shalt  }
0x4b: {  	_ =	shalt  }
0x4c: {  	_ =	shalt  }
0x4d: {  	_ =	shalt  }
0x4e: {  	_ =	shalt  }
0x4f: {  	_ =	shalt  }
0x50: {  	_ =	shalt  }
0x51: {  	_ =	shalt  }
0x52: {  	_ =	shalt  }
0x53: {  	_ =	shalt  }
0x54: {  	_ =	shalt  }
0x55: {  	_ =	shalt  }
0x56: {  	_ =	shalt  }
0x57: {  	_ =	shalt  }
0x58: {  	_ =	shalt  }
0x59: {  	_ =	shalt  }
0x5a: {  	_ =	shalt  }
0x5b: {  	_ =	shalt  }
0x5c: {  	_ =	shalt  }
0x5d: {  	_ =	shalt  }
0x5e: {  	_ =	shalt  }
0x5f: {  	_ =	shalt  }
0x60: {  	_ =	shalt  }
0x61: {  	_ =	shalt  }
0x62: {  	_ =	shalt  }
0x63: {  	_ =	shalt  }
0x64: {  	_ =	shalt  }
0x65: {  	_ =	shalt  }
0x66: {  	_ =	shalt  }
0x67: {  	_ =	shalt  }
0x68: {  	_ =	shalt  }
0x69: {  	_ =	shalt  }
0x6a: {  	_ =	shalt  }
0x6b: {  	_ =	shalt  }
0x6c: {  	_ =	shalt  }
0x6d: {  	_ =	shalt  }
0x6e: {  	_ =	shalt  }
0x6f: {  	_ =	shalt  }
0x70: {  	_ =	shalt  }
0x71: {  	_ =	shalt  }
0x72: {  	_ =	shalt  }
0x73: {  	_ =	shalt  }
0x74: {  	_ =	shalt  }
0x75: {  	_ =	shalt  }
0x76: {  	_ =	shalt  }
0x77: {  	_ =	shalt  }
0x78: {  	_ =	shalt  }
0x79: {  	_ =	shalt  }
0x7a: {  	_ =	shalt  }
0x7b: {  	_ =	shalt  }
0x7c: {  	_ =	shalt  }
0x7d: {  	_ =	shalt  }
0x7e: {  	_ =	shalt  }
0x7f: {  	_ =	shalt  }
0x80: {  	_ =	shalt  }
0x81: {  	_ =	shalt  }
0x82: {  	_ =	shalt  }
0x83: {  	_ =	shalt  }
0x84: {  	_ =	shalt  }
0x85: {  	_ =	shalt  }
0x86: {  	_ =	shalt  }
0x87: {  	_ =	shalt  }
.Lfunc_end0:
.L_simem_size_0:
called_computation_lowered:
.L_overlay_start_0:
0x88: {  	s2 =	sld [smem:$0x3FD9]  }
0x89: {  	s3 =	sld [smem:$0x3FFE];
	_ =	sdelay $0x1  }
0x8a: {  	s1 =	srdreg.scid  }
0x8b: {  	s0 =	sand.u32 $0x1, s1  }
0x8c: {  	s14 =	sshll.u32 s0, $0xA;
	s2 =	sadd.s32 s3, s2  }
0x8d: {  	s2 =	sadd.s32 s2, s14  }
0x8e: {  	[smem:$0x3FC5] =	sst s2  }
0x8f: {  	_ = 	snop  }
0x90: {  	s2 =	sld [smem:$0x3FD0];
	_ =	sdelay $0x2  }
0x91: {  	s15 =	simm.s32 $0xA;
	s4 =	simm.s32 $0x10  }
0x92: {  	[smem:s4], [sflag:s15] =	dma.local [hbm:s2], $0x1  }
0x93: {  	_ =	swait.eq [sflag:s15], $0x1  }
0x94: {  	[sflag:s15] =	ssyncset.done $0x0  }
0x95: {  	[sflag:s15] =	ssyncadd.s32 $0xFFFFFFFF  }
0x96: {  	s16 =	sld [smem:$0x10];
	(tm) =	ssettm $0x1  }
0x97: {  	s17 =	sld [smem:$0x3FFB];
	_ =	sdelay $0x3  }
0x98: {  	_ =	strace s17  }
0x99: {  	s3 =	sld [smem:$0x3FFC];
	_ =	sdelay $0x3  }
0x9a: {  	_ =	strace s3  }
0x9b: {  	s3 =	sld [smem:$0x3FFD];
	_ =	sdelay $0x3  }
0x9c: {  	_ =	strace s3  }
0x9d: {  	_ =	strace $0x8FFFFFFF  }
0x9e: {  	s18 =	sld [smem:$0x3FDB];
	_ =	sdelay $0x1  }
0x9f: {  	s19 =	simm.s32 $_scs_section_size  }
0xa0: {  	s5 =	simm.s32 $_size__tile_overlayer_lowered;
	s6 =	simm.s32 $_tile_overlayer_lowered  }
0xa1: {  	s22 =	simm.s32 $0x1BFF;
	s21 =	sshll.u32 s6, $0x1;
	s3 =	sadd.s32 s19, s18  }
0xa2: {  	s7 =	simm.s32 $0x0;
	s20 =	sshll.u32 s5, $0x1;
	s5 =	sadd.s32 s21, s3  }
0xa3: {  	[timem:s7], [sflag:s22] =	dma.local [hbm:s5], s20  }
0xa4: {  	_ =	swait.ge [sflag:s22], s20  }
0xa5: {  	s4 =	ssub.s32 $0x0, s20;
	[sflag:s22] =	ssyncset.done $0x0  }
0xa6: {  	[sflag:s22] =	ssyncadd.s32 s4;
	_ =	sdelay $0x1  }
0xa7: {  	s23 =	simm.s32 $0x1B8B  }
0xa8: {  	_ =	swait.ge [sflag:s23], $0x1  }
0xa9: {  	[sflag:s23] =	ssyncset.done $0x0  }
0xaa: {  	s25 =	simm.s32 $0x1B8E;
	s24 =	sld [smem:$0x3FFE];
	[sflag:s23] =	ssyncadd.s32 $0xFFFFFFFF  }
0xab: {  	s26 =	simm.s32 $execute0_lowered;
	[smem:$0x3FD2] =	sst s25  }
0xac: {  	s5 =	sshll.u32 s26, $0x1;
	_ =	strace $0x80000046;
	[dreg:$0x1] =	wrdreg $0xFFFFFFFF  }
0xad: {  	s28 =	simm.s32 $_size_execute0_lowered;
	s3 =	sadd.s32 s3, s5;
	[dreg:$0x0] =	wrdreg $0x0  }
0xae: {  	s5 =	sshll.u32 s28, $0x1;
	[dreg:$0x2] =	wrdreg s3  }
0xaf: {  	[dreg:$0x3] =	wrdreg s5  }
0xb0: {  	[dreg:$0x4] =	wrdreg $0xC0  }
0xb1: {  	_ =	task [dreg:s7], $0x5FFFF  }
0xb2: {  	[dreg:$0x1] =	wrdreg $0xFFFFFFFF  }
0xb3: {  	[dreg:$0x0] =	wrdreg $0x60  }
0xb4: {  	[dreg:$0x2] =	wrdreg s16  }
0xb5: {  	[dreg:$0x3] =	wrdreg s24  }
0xb6: {  	[dreg:$0x4] =	wrdreg $0x9  }
0xb7: {  	_ =	task.clear_ibuf [dreg:s7], $0x5FFFF;
	_ =	strace $0x90000046  }
0xb8: {  	s29 =	simm.s32 $0x9;
	_ =	strace $0x80000048  }
0xb9: {  	_ =	swait.ge [sflag:s29], $0x1  }
0xba: {  	[sflag:s29] =	ssyncadd.s32 $0xFFFFFFFF  }
0xbb: {  	_ =	strace $0x90000048  }
0xbc: {  	_ =	sfence  }
0xbd: {  	s30 =	sld [smem:$0x0];
	_ =	sdelay $0x2  }
0xbe: {  	s31 =	sshll.u32 s1, $0xD;
	s1 =	sshrl.u32 s1, $0x2  }
0xbf: {  	s3 =	sand.u32 $0x4000, s31;
	s1 =	sadd.s32 s1, s30  }
0xc0: {  	s0 =	sor.u32 s3, s0;
	s1 =	sshll.u32 s1, $0x11  }
0xc1: {  	s0 =	sor.u32 s1, s0  }
0xc2: {  	s0 =	sadd.s32 $0x8F2B, s0  }
0xc3: {  	[sflag:s0] =	ssyncadd.remote.s32 $0x1  }
0xc4: {  	_ =	sfence.sel $0xFFFF  }
0xc5: {  	[dreg:$0x0] =	wrdreg $0xFFFFFFFF;
	(pc) =	sbr.abs _section_cstart, $3  }
0xc6: {  	[dreg:$0x1] =	wrdreg $0xFFFFFFFF  }
0xc7: {  	_ =	task.clear_ibuf [dreg:s7], $0x2FFFF;
	_ =	strace $0x9FFFFFFF  }
0xc8: {  	(tm) =	ssettm $0x7FFFFFFF  }
0xc9: {  	_ =	shalt  }
tec
execute0_lowered:
.L_overlay_start_1:
0x0: {  	(tag) =	ssettag $0x1  }
0x1: {  	v0 =	vimm.s32 $0xEFCDAB89;
	v1 =	vimm.s32 $0x67452301  }
0x2: {  	v2 =	vimm.s32 $0xDCFE98BA;
	v3 =	vimm.s32 $0x54761032;
	v4 =	vimm.s32 $0xBA98FEDC  }
0x3: {  	s3 =	rddreg [dreg:$0x0];
	v5 =	vimm.s32 $0x32107654;
	v6 =	vimm.s32 $0xFEDCBA98;
	v7 =	vimm.s32 $0x76543210  }
0x4: {  	s4 =	rddreg [dreg:$0x1];
	vm0 =	vcmask $0x3F08;
	v0 =	vunpack.c.l.s4.s8 v0;
	v1 =	vunpack.c.l.s4.s8 v1  }
0x5: {  	s0 =	rddreg [dreg:$0x2];
	s1 =	simm.s32 $0x0;
	s5 =	srdreg.scid;
	v2 =	vunpack.c.l.s4.s8 v2;
	v3 =	vunpack.c.l.s4.s8 v3;
	v4 =	vunpack.c.l.s4.s8 v4  }
0x6: {  	s2 =	stileid.u32;
	s9 =	simm.s32 $0x2000;
	s10 =	simm.s32 $0x4000;
	v5 =	vunpack.c.l.s4.s8 v5;
	v6 =	vunpack.c.l.s4.s8 v6;
	v0 =	vunpack.c.0.s8.s32 v0  }
0x7: {  	s11 =	simm.s32 $0x6000;
	s12 =	simm.s32 $0x0;
	s5 =	sand.u32 $0x1, s5;
	v1 =	vunpack.c.0.s8.s32 v1;
	v2 =	vunpack.c.0.s8.s32 v2;
	v3 =	vunpack.c.0.s8.s32 v3  }
0x8: {  	s6 =	sshll.u32 s2, $0xB;
	v7 =	vunpack.c.l.s4.s8 v7;
	s7 =	sshll.u32 s5, $0xA;
	s5 =	ssub.s32 $0x2, s5;
	v4 =	vunpack.c.0.s8.s32 v4;
	v5 =	vunpack.c.0.s8.s32 v5  }
0x9: {  	[smem:$0x7FF] =	sst s1;
	s6 =	sor.u32 s7, s6;
	s31 =	sshrl.u32 s5, $0x1;
	v0 =	vcombine.low v1, v0;
	v1 =	vunpack.c.0.s8.s32 v6;
	v2 =	vcombine.low v3, v2  }
0xa: {  	vm1 =	vmmov $0x1;
	_ =	strace $0x80000047;
	s8 =	sadd.s32 s6, s4;
	s7 =	ssub.s32 s5, s31;
	v3 =	vcombine.low v5, v4;
	v4 =	vunpack.c.0.s8.s32 v7  }
0xb: {  	s3 =	sadd.s32 s3, s6;
	s4 =	sadd.s32 $0x1000, s8;
	s5 =	sadd.s32 $0x9000, s8;
	v0 =	vand.u32 $0xF, v0;
	v5 =	vand.u32 $0xF, v1;
	v1 =	vand.u32 $0xF, v2  }
0xc: {  	s6 =	sadd.s32 $0x11000, s8;
	s7 =	smax.u32 s7, $0x1;
	s8 =	simm.s32 $0x1;
	v2 =	vand.u32 $0xF, v3;
	v3 =	vcombine.low v5, v4;
	v4 =	vlaneseq.u32  }
.LBB2_1:
0xd: {  	[tilespmem:s1], [sflag:$0x1] =	stream.linear.gather [hbm4b:s3+s1], $0x2000, $0x38;
	[tilespmem:$0x8000] =	vst v63  }
0xe: {  	_ =	swait.ge [sflag:s8], $0x2000  }
0xf: {  	[sflag:s8] =	ssyncset.done $0x0  }
0x10: {  	s14 =	simm.s32 $0x0;
	[sflag:s8] =	ssyncadd.s32 $0xFFFFE000  }
0x11: {  	v7 =	vld [tilespmem:s14+$0x0];
	_ =	sdelay $0x4  }
0x12: {  	v5 =	vperm.xlane v7, v0;
	_ =	sdelay $0x1  }
0x13: {  	v5 =	vmax.f32 v7, v5  }
0x14: {  	v6 =	vperm.xlane v5, v1;
	_ =	sdelay $0x1  }
0x15: {  	v5 =	vmax.f32 v5, v6  }
0x16: {  	v6 =	vperm.xlane v5, v2;
	_ =	sdelay $0x1  }
0x17: {  	v5 =	vmax.f32 v5, v6  }
0x18: {  	v6 =	vperm.xlane v5, v3;
	_ =	sdelay $0x1  }
0x19: {  	v9 =	vmax.f32 v5, v6  }
0x1a: {  	s13 =	simm.s32 $0x10;
	vm2 =	veq.f32 v7, v9  }
0x1b: {  	v10 =	vld [tilespmem:s13+$0x0];
	v5 =	vnsel vm2, $0x10, v4  }
0x1c: {  	v6 =	vperm.xlane v5, v0;
	_ =	sdelay $0x1  }
0x1d: {  	vm2 =	vlt.s32 v5, v6  }
0x1e: {  	v5 =	vsel vm2, v5, v6  }
0x1f: {  	v8 =	vperm.xlane v10, v0;
	v6 =	vperm.xlane v5, v1;
	_ =	sdelay $0x1  }
0x20: {  	v8 =	vmax.f32 v10, v8;
	vm2 =	vlt.s32 v5, v6  }
0x21: {  	v5 =	vsel vm2, v5, v6;
	v6 =	vperm.xlane v8, v1  }
0x22: {  	v11 =	vperm.xlane v5, v2  }
0x23: {  	v6 =	vmax.f32 v8, v6  }
0x24: {  	vm2 =	vlt.s32 v5, v11;
	v8 =	vperm.xlane v6, v2  }
0x25: {  	v5 =	vsel vm2, v5, v11  }
0x26: {  	v11 =	vperm.xlane v5, v3;
	v8 =	vmax.f32 v6, v8  }
0x27: {  	v12 =	vperm.xlane v8, v3  }
0x28: {  	s15 =	simm.s32 $0x20;
	vm2 =	vlt.s32 v5, v11  }
0x29: {  	v19 =	vld [tilespmem:s15+$0x0];
	v6 =	vsel vm2, v5, v11;
	v5 =	vmax.f32 v8, v12  }
0x2a: {  	vm2 =	veq.s32 v6, v4;
	vm3 =	veq.f32 v10, v5  }
0x2b: {  	v7 =	vsel vm2, $0xFF800000, v7;
	v8 =	vnsel vm3, $0x10, v4  }
0x2c: {  	v11 =	vperm.xlane v7, v0;
	v12 =	vperm.xlane v8, v0;
	_ =	sdelay $0x1  }
0x2d: {  	v13 =	vperm.xlane v19, v0;
	v11 =	vmax.f32 v7, v11;
	vm3 =	vlt.s32 v8, v12  }
0x2e: {  	v14 =	vperm.xlane v11, v1;
	v8 =	vsel vm3, v8, v12  }
0x2f: {  	v13 =	vmax.f32 v19, v13;
	v15 =	vperm.xlane v8, v1  }
0x30: {  	v12 =	vperm.xlane v13, v1;
	v11 =	vmax.f32 v11, v14  }
0x31: {  	v14 =	vperm.xlane v11, v2;
	vm3 =	vlt.s32 v8, v15  }
0x32: {  	s16 =	simm.s32 $0x30;
	v12 =	vmax.f32 v13, v12;
	v8 =	vsel vm3, v8, v15  }
0x33: {  	v13 =	vperm.xlane v12, v2;
	v14 =	vmax.f32 v11, v14;
	v15 =	vperm.xlane v8, v2;
	v11 =	vld [tilespmem:s16+$0x0]  }
0x34: {  	v16 =	vperm.xlane v14, v3  }
0x35: {  	v12 =	vmax.f32 v12, v13;
	vm3 =	vlt.s32 v8, v15  }
0x36: {  	v13 =	vmax.f32 v14, v16;
	v14 =	vperm.xlane v12, v3;
	v8 =	vsel vm3, v8, v15  }
0x37: {  	vm3 =	veq.f32 v7, v13;
	v15 =	vperm.xlane v8, v3  }
0x38: {  	v16 =	vnsel vm3, $0x10, v4;
	v7 =	vmax.f32 v12, v14;
	v14 =	vperm.xlane v11, v0  }
0x39: {  	v12 =	vperm.xlane v16, v0;
	vm3 =	veq.f32 v19, v7;
	vm4 =	vlt.s32 v8, v15  }
0x3a: {  	v17 =	vnsel vm3, $0x10, v4;
	v8 =	vsel vm4, v8, v15  }
0x3b: {  	v15 =	vadd.f32 v13, v9;
	v14 =	vmax.f32 v11, v14;
	vm3 =	vlt.s32 v16, v12  }
0x3c: {  	vm4 =	veq.s32 v8, v4;
	v12 =	vsel vm3, v16, v12;
	v16 =	vperm.xlane v17, v0  }
0x3d: {  	v18 =	vsel vm4, $0xFF800000, v10;
	(erf) = vrcp.f32 v15;
	v10 =	vperm.xlane v12, v1  }
0x3e: {  	v15 =	vperm.xlane v14, v1;
	v20 =	vperm.xlane v18, v0  }
0x3f: {  	vm5 =	vlt.s32 v17, v16;
	vm3 =	vlt.s32 v12, v10  }
0x40: {  	v14 =	vmax.f32 v14, v15;
	v20 =	vmax.f32 v18, v20;
	v10 =	vsel vm3, v12, v10  }
0x41: {  	v12 =	vsel vm5, v17, v16;
	v16 =	vperm.xlane v20, v1;
	v17 =	vperm.xlane v10, v2  }
0x42: {  	vm2 =	vmmov vm2;
	v21 =	vperm.xlane v14, v2;
	v15 =	vperm.xlane v12, v1  }
0x43: {  	vm3 =	vmmov vm2;
	v16 =	vmax.f32 v20, v16;
	vm2 =	vlt.s32 v10, v17  }
0x44: {  	vm5 =	vlt.s32 v12, v15;
	v20 =	vperm.xlane v16, v2;
	v10 =	vsel vm2, v10, v17  }
0x45: {  	v21 =	vmax.f32 v14, v21;
	v12 =	vsel vm5, v12, v15;
	v17 =	vperm.xlane v10, v3  }
0x46: {  	v22 =	vperm.xlane v12, v2;
	v16 =	vmax.f32 v16, v20;
	v20 =	vperm.xlane v21, v3;
	v24 =	vpop (erf)  }
0x47: {  	s17 =	simm.s32 $0x40;
	vm2 =	vmmov vm4;
	v23 =	vperm.xlane v16, v3;
	v14 =	vmul.f32 v24, v13  }
0x48: {  	v15 =	vld [tilespmem:s17+$0x0];
	v13 =	vmul.f32 v24, v9;
	vm4 =	vlt.s32 v10, v17;
	vm5 =	vlt.s32 v12, v22  }
0x49: {  	v17 =	vsel vm4, v10, v17;
	v10 =	vmax.f32 v16, v23;
	v12 =	vsel vm5, v12, v22  }
0x4a: {  	vm4 =	veq.s32 v17, v4;
	vm5 =	veq.f32 v18, v10;
	v18 =	vperm.xlane v12, v3  }
0x4b: {  	v16 =	vsel vm0, $0x0, v17;
	v9 =	vnsel vm4, $0x0, v14;
	v22 =	vnsel vm5, $0x10, v4  }
0x4c: {  	v23 =	vsel vm3, v13, v9;
	v9 =	vmax.f32 v21, v20;
	v20 =	vperm.xlane v22, v0  }
0x4d: {  	v63 =	vperm.xlane v15, v0;
	v25 =	vadd.f32 v10, v5;
	vm4 =	vlt.s32 v12, v18  }
0x4e: {  	vm3 =	veq.f32 v11, v9;
	v12 =	vsel vm4, v12, v18;
	vm4 =	vlt.s32 v22, v20  }
0x4f: {  	v17 =	vnsel vm3, $0x10, v4;
	vm3 =	veq.s32 v12, v4;
	v20 =	vsel vm4, v22, v20  }
0x50: {  	(erf) = vrcp.f32 v25;
	v19 =	vsel vm3, $0xFF800000, v19;
	v21 =	vperm.xlane v20, v1  }
0x51: {  	s18 =	simm.s32 $0x140;
	[tilespmem:s14+$0x2000] =	vst v23;
	v23 =	vmax.f32 v15, v63;
	v18 =	vperm.xlane v17, v0;
	v22 =	vperm.xlane v19, v0  }
.LBB2_2:
0x52: {  	v24 =	vperm.xlane v23, v1;
	vm5 =	vlt.s32 v20, v21  }
0x53: {  	p0 =	sne.s32 s18, $0x7FC0;
	v14 =	vsel vm0, $0x0, v14;
	vm4 =	vmmov vm2;
	vm2 =	vmmov vm3  }
0x54: {  	vm3 =	vlt.s32 v17, v18;
	v22 =	vmax.f32 v19, v22;
	v20 =	vsel vm5, v20, v21  }
0x55: {  	v17 =	vsel vm3, v17, v18;
	v18 =	vperm.xlane v22, v1;
	v21 =	vperm.xlane v20, v2  }
0x56: {  	v16 =	vsel vm1, v6, v16;
	v6 =	vmovc v8;
	v23 =	vmax.f32 v23, v24;
	v24 =	vperm.xlane v17, v1  }
0x57: {  	v25 =	vperm.xlane v23, v2;
	v18 =	vmax.f32 v22, v18;
	vm3 =	vlt.s32 v20, v21;
	[tilespmem:s14+$0x4000] =	vst v16  }
0x58: {  	v8 =	vmovc v12;
	vm5 =	vlt.s32 v17, v24;
	v16 =	vperm.xlane v18, v2;
	v20 =	vsel vm3, v20, v21  }
0x59: {  	v13 =	vsel vm1, v13, v14;
	v12 =	vsel vm5, v17, v24;
	v17 =	vperm.xlane v20, v3  }
0x5a: {  	v21 =	vmax.f32 v23, v25;
	v22 =	vperm.xlane v12, v2;
	v16 =	vmax.f32 v18, v16;
	[tilespmem:s14+$0x6000] =	vst v13;
	s14 =	smov.u32 s13;
	s13 =	smov.u32 s15;
	s15 =	smov.u32 s16  }
0x5b: {  	v18 =	vperm.xlane v21, v3;
	s16 =	smov.u32 s17;
	s17 =	sshra.s32 s18, $0x2;
	v13 =	vperm.xlane v16, v3;
	vm3 =	vlt.s32 v20, v17;
	v23 =	vpop (erf)  }
0x5c: {  	vm5 =	vlt.s32 v12, v22;
	v24 =	vld [tilespmem:s17+$0x0];
	v17 =	vsel vm3, v20, v17;
	v14 =	vmul.f32 v23, v10  }
0x5d: {  	v10 =	vmax.f32 v16, v13;
	v13 =	vmul.f32 v23, v5;
	vm3 =	veq.s32 v17, v4;
	v5 =	vmovc v7  }
0x5e: {  	v12 =	vsel vm5, v12, v22;
	v7 =	vmovc v9;
	vm5 =	veq.f32 v19, v10;
	v16 =	vnsel vm3, $0x0, v14  }
0x5f: {  	v19 =	vperm.xlane v12, v3;
	v20 =	vnsel vm5, $0x10, v4;
	v16 =	vsel vm4, v13, v16  }
0x60: {  	v9 =	vmax.f32 v21, v18;
	v18 =	vperm.xlane v20, v0;
	[tilespmem:s14+$0x2000] =	vst v16;
	v16 =	vsel vm0, $0x0, v17  }
.Ltmp0:
0x61: {  	vm3 =	veq.f32 v15, v9;
	vm4 =	vlt.s32 v12, v19;
	v22 =	vperm.xlane v24, v0;
	(pc) =	sbr.rel @p0 .LBB2_2-.Ltmp0, $4  }
0x62: {  	v17 =	vnsel vm3, $0x10, v4;
	v12 =	vsel vm4, v12, v19;
	vm4 =	vlt.s32 v20, v18  }
0x63: {  	v25 =	vadd.f32 v10, v5;
	vm3 =	veq.s32 v12, v4;
	v20 =	vsel vm4, v20, v18  }
0x64: {  	v18 =	vperm.xlane v17, v0;
	v19 =	vsel vm3, $0xFF800000, v11;
	v11 =	vmovc v15;
	v15 =	vmovc v24;
	v21 =	vperm.xlane v20, v1  }
0x65: {  	s18 =	sadd.s32 $0x40, s18;
	v23 =	vmax.f32 v15, v22;
	v22 =	vperm.xlane v19, v0;
	(erf) = vrcp.f32 v25  }
0x66: {  	v24 =	vperm.xlane v23, v1;
	_ =	sdelay $0x1  }
0x67: {  	v23 =	vmax.f32 v23, v24  }
0x68: {  	v24 =	vperm.xlane v23, v2;
	_ =	sdelay $0x1  }
0x69: {  	v51 =	vmax.f32 v23, v24  }
0x6a: {  	v24 =	vperm.xlane v51, v3  }
0x6b: {  	vm4 =	vlt.s32 v17, v18  }
0x6c: {  	v18 =	vsel vm4, v17, v18;
	v17 =	vmax.f32 v51, v24  }
0x6d: {  	v52 =	vperm.xlane v18, v1;
	vm14 =	veq.f32 v15, v17  }
0x6e: {  	v53 =	vnsel vm14, $0x10, v4  }
0x6f: {  	vm4 =	vlt.s32 v18, v52;
	v25 =	vperm.xlane v53, v0  }
0x70: {  	v18 =	vsel vm4, v18, v52  }
0x71: {  	v23 =	vperm.xlane v18, v2;
	vm8 =	vlt.s32 v53, v25  }
0x72: {  	v24 =	vsel vm8, v53, v25  }
0x73: {  	vm7 =	vlt.s32 v20, v21;
	vm15 =	vlt.s32 v18, v23;
	v25 =	vperm.xlane v24, v1  }
0x74: {  	v6 =	vsel vm1, v6, v16;
	v22 =	vmax.f32 v19, v22;
	v18 =	vsel vm15, v18, v23  }
0x75: {  	v20 =	vsel vm7, v20, v21;
	v23 =	vperm.xlane v18, v3;
	vm5 =	vlt.s32 v24, v25  }
0x76: {  	v26 =	vperm.xlane v22, v1;
	v32 =	vperm.xlane v20, v2;
	v54 =	vsel vm5, v24, v25  }
0x77: {  	v14 =	vsel vm0, $0x0, v14;
	vm9 =	vlt.s32 v18, v23;
	v57 =	vperm.xlane v54, v2  }
0x78: {  	v22 =	vmax.f32 v22, v26;
	vm7 =	vlt.s32 v20, v32;
	v18 =	vsel vm9, v18, v23  }
0x79: {  	v55 =	vperm.xlane v22, v2;
	vm4 =	veq.s32 v18, v4;
	vm5 =	vlt.s32 v54, v57  }
0x7a: {  	v20 =	vsel vm7, v20, v32;
	v56 =	vsel vm4, $0xFF800000, v11;
	v11 =	vsel vm5, v54, v57  }
0x7b: {  	vm2 =	vmmov vm2;
	v39 =	vperm.xlane v20, v3;
	v27 =	vperm.xlane v11, v3  }
0x7c: {  	vm3 =	vmmov vm3;
	v13 =	vsel vm1, v13, v14;
	v58 =	vperm.xlane v56, v0  }
0x7d: {  	v22 =	vmax.f32 v22, v55;
	vm13 =	vlt.s32 v20, v39;
	vm5 =	vlt.s32 v11, v27  }
0x7e: {  	v24 =	vperm.xlane v22, v3;
	v26 =	vmax.f32 v56, v58;
	v11 =	vsel vm5, v11, v27  }
0x7f: {  	v40 =	vpop (erf);
	v20 =	vsel vm13, v20, v39;
	v59 =	vperm.xlane v26, v1;
	vm5 =	veq.s32 v11, v4  }
0x80: {  	v10 =	vmul.f32 v40, v10;
	v22 =	vmax.f32 v22, v24;
	v63 =	vsel vm5, $0xFF800000, v15  }
0x81: {  	v23 =	vmax.f32 v26, v59;
	vm6 =	veq.f32 v19, v22;
	v31 =	vperm.xlane v63, v0  }
0x82: {  	v5 =	vmul.f32 v40, v5;
	v60 =	vperm.xlane v23, v2;
	v61 =	vnsel vm6, $0x10, v4  }
0x83: {  	v46 =	vsel vm0, $0x0, v20;
	v62 =	vperm.xlane v61, v0;
	v33 =	vmax.f32 v63, v31  }
0x84: {  	v29 =	vadd.f32 v22, v7;
	v19 =	vmax.f32 v23, v60;
	v35 =	vperm.xlane v33, v1  }
0x85: {  	v8 =	vsel vm1, v8, v46;
	v30 =	vperm.xlane v19, v3;
	vm6 =	vlt.s32 v61, v62  }
0x86: {  	(erf) = vrcp.f32 v29;
	v34 =	vsel vm6, v61, v62;
	v21 =	vmax.f32 v33, v35  }
0x87: {  	v19 =	vmax.f32 v19, v30;
	v36 =	vperm.xlane v34, v1;
	v28 =	vperm.xlane v21, v2  }
0x88: {  	vm4 =	vmmov vm4;
	vm10 =	veq.f32 v56, v19;
	v45 =	vadd.f32 v19, v9  }
0x89: {  	v37 =	vnsel vm10, $0x10, v4;
	vm11 =	vlt.s32 v34, v36;
	v21 =	vmax.f32 v21, v28  }
0x8a: {  	vm10 =	veq.s32 v20, v4;
	v38 =	vperm.xlane v37, v0;
	v28 =	vperm.xlane v21, v3  }
0x8b: {  	v23 =	vsel vm11, v34, v36;
	v44 =	vnsel vm10, $0x0, v10;
	(erf) = vrcp.f32 v45  }
0x8c: {  	v25 =	vperm.xlane v23, v2;
	vm12 =	vlt.s32 v37, v38;
	v21 =	vmax.f32 v21, v28  }
0x8d: {  	v10 =	vsel vm0, $0x0, v10;
	v26 =	vsel vm12, v37, v38;
	vm9 =	veq.f32 v63, v21  }
0x8e: {  	vm14 =	vlt.s32 v23, v25;
	v27 =	vperm.xlane v26, v1;
	v42 =	vnsel vm9, $0x10, v4  }
0x8f: {  	v50 =	vsel vm2, v5, v44;
	v23 =	vsel vm14, v23, v25;
	v43 =	vperm.xlane v42, v0  }
0x90: {  	vm2 =	vmmov vm3;
	v47 =	vpop (erf);
	v25 =	vperm.xlane v23, v3;
	vm15 =	vlt.s32 v26, v27  }
0x91: {  	v49 =	vmul.f32 v47, v22;
	v26 =	vsel vm15, v26, v27;
	vm13 =	vlt.s32 v42, v43  }
0x92: {  	vm11 =	vlt.s32 v23, v25;
	v48 =	vadd.f32 v21, v17;
	v27 =	vsel vm13, v42, v43  }
0x93: {  	v41 =	vperm.xlane v26, v2;
	v23 =	vsel vm11, v23, v25;
	v51 =	vperm.xlane v27, v1  }
0x94: {  	v5 =	vsel vm1, v5, v10;
	vm3 =	veq.s32 v23, v4;
	(erf) = vrcp.f32 v48  }
0x95: {  	vm12 =	vlt.s32 v26, v41;
	v52 =	vnsel vm3, $0x0, v49;
	vm3 =	vlt.s32 v27, v51  }
0x96: {  	[tilespmem:s14+$0x4000] =	vst v6;
	v7 =	vmul.f32 v47, v7;
	v15 =	vsel vm12, v26, v41;
	v53 =	vsel vm3, v27, v51  }
0x97: {  	[tilespmem:s14+$0x6000] =	vst v13;
	v20 =	vsel vm0, $0x0, v49;
	v56 =	vpop (erf);
	v54 =	vperm.xlane v15, v3;
	v16 =	vperm.xlane v53, v2  }
0x98: {  	[tilespmem:s13+$0x6000] =	vst v5;
	v55 =	vsel vm0, $0x0, v23;
	v58 =	vmul.f32 v56, v19;
	v5 =	vmul.f32 v56, v9  }
0x99: {  	[tilespmem:s13+$0x4000] =	vst v8;
	v6 =	vsel vm2, v7, v52;
	vm14 =	vlt.s32 v15, v54;
	vm15 =	vlt.s32 v53, v16  }
0x9a: {  	[tilespmem:s13+$0x2000] =	vst v50;
	vm2 =	vmmov vm4;
	v57 =	vsel vm14, v15, v54;
	v10 =	vsel vm15, v53, v16  }
0x9b: {  	v7 =	vsel vm1, v7, v20;
	[tilespmem:s15+$0x2000] =	vst v6;
	vm4 =	veq.s32 v57, v4;
	v59 =	vperm.xlane v10, v3  }
0x9c: {  	v6 =	vsel vm1, v12, v55;
	[tilespmem:s15+$0x6000] =	vst v7;
	v7 =	vsel vm0, $0x0, v58;
	v60 =	vnsel vm4, $0x0, v58  }
0x9d: {  	[tilespmem:s15+$0x4000] =	vst v6;
	v8 =	vsel vm0, $0x0, v57;
	v6 =	vsel vm2, v5, v60;
	v61 =	vpop (erf);
	vm2 =	vlt.s32 v10, v59  }
0x9e: {  	[tilespmem:s16+$0x2000] =	vst v6;
	v6 =	vsel vm1, v18, v8;
	v62 =	vmul.f32 v61, v21;
	v9 =	vsel vm2, v10, v59  }
0x9f: {  	vm3 =	vmmov vm5;
	v63 =	vmul.f32 v61, v17;
	vm2 =	veq.s32 v9, v4  }
0xa0: {  	v5 =	vsel vm1, v5, v7;
	[tilespmem:s16+$0x4000] =	vst v6;
	vm3 =	vmmov vm3;
	v6 =	vnsel vm2, $0x0, v62  }
0xa1: {  	[tilespmem:s16+$0x6000] =	vst v5;
	v5 =	vsel vm3, v63, v6;
	v6 =	vsel vm0, $0x0, v9  }
0xa2: {  	[tilespmem:s17+$0x2000] =	vst v5;
	v5 =	vsel vm0, $0x0, v62;
	v6 =	vsel vm1, v11, v6  }
0xa3: {  	[tilespmem:s17+$0x4000] =	vst v6;
	v5 =	vsel vm1, v63, v5  }
0xa4: {  	[tilespmem:s17+$0x6000] =	vst v5  }
0xa5: {  	[hbm4b:s4+s1] =	stream.linear.scatter [tilespmem:s9], [sflag:$0x1], $0x2000, $0x38;
	[tilespmem:$0x8000] =	vst v63  }
0xa6: {  	_ =	swait.ge [sflag:s8], $0x2000  }
0xa7: {  	[sflag:s8] =	ssyncset.done $0x0  }
0xa8: {  	[sflag:s8] =	ssyncadd.s32 $0xFFFFE000  }
0xa9: {  	[hbm4b:s5+s1] =	stream.linear.scatter [tilespmem:s10], [sflag:$0x1], $0x2000, $0x38;
	[tilespmem:$0x8000] =	vst v63  }
0xaa: {  	s12 =	sadd.s32 $0x1, s12;
	_ =	swait.ge [sflag:s8], $0x2000  }
0xab: {  	p0 =	sne.s32 s12, s7;
	[sflag:s8] =	ssyncset.done $0x0  }
.Ltmp1:
0xac: {  	[sflag:s8] =	ssyncadd.s32 $0xFFFFE000;
	(pc) =	sbr.rel @p0 .LBB2_1-.Ltmp1, $4  }
0xad: {  	[hbm4b:s6+s1] =	stream.linear.scatter [tilespmem:s11], [sflag:$0x1], $0x2000, $0x38;
	[tilespmem:$0x8000] =	vst v63  }
0xae: {  	_ =	swait.ge [sflag:s8], $0x2000  }
0xaf: {  	[sflag:s8] =	ssyncset.done $0x0  }
0xb0: {  	[sflag:s8] =	ssyncadd.s32 $0xFFFFE000  }
0xb1: {  	_ =	sfence.sel $0x180000  }
0xb2: {  	[bflag:$0x0] =	sbarrier.arrive $0xFFFF  }
0xb3: {  	p0 =	sne.s32 s2, $0x0;
	_ =	strace $0x90000047  }
0xb4: {  	s0 =	sadd.s32 @!p0 $0x100000, s0;
	[bflag:$0x2] =	sbarrier.arrive $0xFFFF  }
0xb5: {  	[sflag:s0] =	ssyncadd.tile.s32 @!p0 $0x1;
	_ =	shalt  }
.Lfunc_end2:
_tile_overlayer_lowered:
.L_overlay_start_2:
0xb6: {  	(tag) =	ssettag $0x2  }
0xb7: {  	s0 =	rddreg [dreg:$0x0];
	s2 =	stileid.u32  }
0xb8: {  	s1 =	rddreg [dreg:$0x1];
	p0 =	sne.s32 s2, $0x0  }
0xb9: {  	s3 =	rddreg [dreg:$0x2];
	[bflag:$0x3] =	sbarrier.arrive $0xFFFF;
	s2 =	simm.s32 @!p0 $0x1C01  }
0xba: {  	[timem:s3], [sflag:s2] =	dma.local @!p0 [hbm:s0], s1  }
0xbb: {  	s0 =	simm.s32 @!p0 $0x1  }
0xbc: {  	_ =	swait.ge @!p0 [sflag:s0], s1  }
0xbd: {  	s1 =	ssub.s32 @!p0 $0x0, s1;
	[sflag:s0] =	ssyncset.done @!p0 $0x0  }
0xbe: {  	[sflag:s0] =	ssyncadd.s32 @!p0 s1  }
0xbf: {  	[bflag:$0x3] =	sbarrier.arrive $0xFFFF  }
0xc0: {  	_ =	shalt  }

</sc_bundles>
